<compile_context>
chip_gen: v7x
topology: tpu7x:2x2x1
jax: 0.10.2.dev20260603
libtpu: 0.0.44.dev20260713+nightly
codegen_flags: <defaults>
</compile_context>

<pallas_src>
import functools

import jax
import jax.numpy as jnp
from jax import lax
from jax.experimental import pallas as pl
from jax.experimental.pallas import tpu as pltpu
from jax.experimental.pallas import tpu_sc as plsc

NUM_FIELDS = 26
VOCAB = 100000
EMBED_DIM = 32
BATCH = 16384

NC = 2
NS = 16
NW = NC * NS
LANES = 16

PAIRS = NUM_FIELDS * EMBED_DIM
PER_W = PAIRS // NW
QTR = BATCH // 4
NQ = 4


def _body(xt_hbm, tab_hbm, out_hbm, row_v, idx_v, ob0_v, ob1_v, sem0, sem1, rsem):
    wid = lax.axis_index("s") * NC + lax.axis_index("c")
    obufs = (ob0_v, ob1_v)
    sems = (sem0, sem1)

    def drain(b, p):
        pltpu.make_async_copy(
            obufs[b], out_hbm.at[p, pl.ds(0, QTR)], sems[b]
        ).wait()

    def pair_body(k, carry):
        p = wid * PER_W + k
        i = p // EMBED_DIM
        e = p % EMBED_DIM

        @pl.when(jnp.logical_or(k == 0, i != (p - 1) // EMBED_DIM))
        def _():
            pltpu.sync_copy(xt_hbm.at[i, :], idx_v)

        row_copy = pltpu.async_copy(tab_hbm.at[i, e, :], row_v, rsem)

        @pl.when(k > 0)
        def _():
            drain(0, p)
            drain(1, p)

        row_copy.wait()

        for q in range(NQ):
            b = q % 2
            if q >= 2:
                drain(b, p)

            ob = obufs[b]
            qbase = q * QTR

            @plsc.parallel_loop(0, QTR, step=LANES, unroll=16)
            def _(g):
                iv = idx_v[pl.ds(qbase + g, LANES)]
                ob[pl.ds(g, LANES)] = plsc.load_gather(row_v, [iv])

            pltpu.async_copy(ob, out_hbm.at[p, pl.ds(qbase, QTR)], sems[b])
        return carry

    lax.fori_loop(0, PER_W, pair_body, 0)
    drain(0, wid * PER_W)
    drain(1, wid * PER_W)


_mesh = plsc.VectorSubcoreMesh(core_axis_name="c", subcore_axis_name="s")

_gather = functools.partial(
    pl.kernel,
    mesh=_mesh,
    out_type=jax.ShapeDtypeStruct((PAIRS, BATCH), jnp.float32),
    compiler_params=pltpu.CompilerParams(
        use_tc_tiling_on_sc=True, needs_layout_passes=False
    ),
    scratch_types=[
        pltpu.VMEM((VOCAB,), jnp.float32),
        pltpu.VMEM((BATCH,), jnp.int32),
        pltpu.VMEM((QTR,), jnp.float32),
        pltpu.VMEM((QTR,), jnp.float32),
        pltpu.SemaphoreType.DMA,
        pltpu.SemaphoreType.DMA,
        pltpu.SemaphoreType.DMA,
    ],
)(_body)


@jax.jit
def kernel(x, tables):
    xt = x.T
    tab_t = jnp.transpose(tables, (0, 2, 1))
    out_t = _gather(xt, tab_t)
    return out_t.T

# --- scband reference (transcript-rebuilt; emitter-appended) ---
"""Pipeline reference for scband-my-multi-embedding-30202210025667 (READ-ONLY COPY).

The authoritative reference and input builder live on the scoring server;
editing this copy changes nothing except your own understanding.
"""

import jax, jax.numpy as jnp
import numpy as np

NUM_FIELDS = 26
VOCAB = 100000
EMBED_DIM = 32
BATCH = 16384

def setup_inputs(seed: int = 0) -> dict:
    key = jax.random.key(seed)
    k_idx, k_tab = jax.random.split(key)
    x = jax.random.randint(k_idx, (BATCH, NUM_FIELDS), 0, VOCAB, dtype=jnp.int64 if jax.config.jax_enable_x64 else jnp.int32)
    # 26 embedding tables stacked: [NUM_FIELDS, VOCAB, EMBED_DIM]
    tables = jax.random.normal(k_tab, (NUM_FIELDS, VOCAB, EMBED_DIM), dtype=jnp.float32)
    return {"x": x, "tables": tables}

def reference(x, tables):
    # MyMultiEmbedding with list-of-(vocab, dim) sizes -> concat_output=True.
    # For each categorical field i: lookup x[..., i] in table i, then concat on last dim.
    outs = []
    for i in range(NUM_FIELDS):
        outs.append(jnp.take(tables[i], x[:, i], axis=0))
    return jnp.concatenate(outs, axis=-1)

if __name__ == "__main__":
    import jax
    _d = setup_inputs()
    print(jax.jit(kernel)(*tuple(_d.values())))

</pallas_src>

<mosaic_0001>
#map = affine_map<(d0, d1) -> (0, 0)>
#map1 = affine_map<(d0, d1) -> (0, 0, 0)>
module attributes {stable_mosaic.version = 14 : i64} {
  func.func @_body(%arg0: i32, %arg1: i32, %arg2: memref<26x16384xi32, #tpu.memory_space<hbm>>, %arg3: memref<26x32x100000xf32, #tpu.memory_space<hbm>>, %arg4: memref<832x16384xf32, #tpu.memory_space<hbm>>, %arg5: memref<100000xf32, #tpu.memory_space<vmem>>, %arg6: memref<16384xi32, #tpu.memory_space<vmem>>, %arg7: memref<4096xf32, #tpu.memory_space<vmem>>, %arg8: memref<4096xf32, #tpu.memory_space<vmem>>, %arg9: memref<!tpu.dma_semaphore, #tpu.memory_space<semaphore_mem>>, %arg10: memref<!tpu.dma_semaphore, #tpu.memory_space<semaphore_mem>>, %arg11: memref<!tpu.dma_semaphore, #tpu.memory_space<semaphore_mem>>) attributes {dimension_semantics = [#tpu.dimension_semantics<core_parallel>, #tpu.dimension_semantics<subcore_parallel>], iteration_bounds = array<i64: 2, 16>, scalar_prefetch = 0 : i64, scratch_operands = 7 : i64, tpu.core_type = #tpu.core_type<sc_vector_subcore>, window_params = [{transform_indices = #map}, {transform_indices = #map1}, {transform_indices = #map}]} {
    %mul3A = arith.constant 2 : i32
    %mul3A_0 = arith.muli %arg1, %mul3A : i32
    %add3A = arith.addi %mul3A_0, %arg0 : i32
    %scan3A = arith.constant 0 : i32
    %scan3A_1 = arith.constant 0 : i32
    %scan3A_2 = arith.constant 26 : i32
    %scan3A_3 = arith.addi %scan3A_1, %scan3A_2 : i32
    %scan3A_4 = arith.constant 1 : i32
    scf.for %scan3A_21 = %scan3A_1 to %scan3A_3 step %scan3A_4  : i32 {
      %mul3A_22 = arith.constant 26 : i32
      %mul3A_23 = arith.muli %add3A, %mul3A_22 : i32
      %add3A_24 = arith.addi %mul3A_23, %scan3A_21 : i32
      %jit3A = arith.constant 32 : i32
      %div3A = arith.divsi %add3A_24, %jit3A : i32
      %sign3A = arith.constant 0 : i32
      %sign3A_25 = arith.cmpi sgt, %add3A_24, %sign3A : i32
      %sign3A_26 = arith.extui %sign3A_25 : i1 to i32
      %sign3A_27 = arith.constant 0 : i32
      %sign3A_28 = arith.cmpi slt, %add3A_24, %sign3A_27 : i32
      %sign3A_29 = arith.extui %sign3A_28 : i1 to i32
      %sign3A_30 = arith.subi %sign3A_26, %sign3A_29 : i32
      %sign3A_31 = arith.constant 0 : i32
      %sign3A_32 = arith.cmpi sgt, %jit3A, %sign3A_31 : i32
      %sign3A_33 = arith.extui %sign3A_32 : i1 to i32
      %sign3A_34 = arith.constant 0 : i32
      %sign3A_35 = arith.cmpi slt, %jit3A, %sign3A_34 : i32
      %sign3A_36 = arith.extui %sign3A_35 : i1 to i32
      %sign3A_37 = arith.subi %sign3A_33, %sign3A_36 : i32
      %ne3A = arith.cmpi ne, %sign3A_30, %sign3A_37 : i32
      %rem3A = arith.remsi %add3A_24, %jit3A : i32
      %ne3A_38 = arith.constant 0 : i32
      %ne3A_39 = arith.cmpi ne, %rem3A, %ne3A_38 : i32
      %and3A = arith.andi %ne3A, %ne3A_39 : i1
      %sub3A = arith.constant 1 : i32
      %sub3A_40 = arith.subi %div3A, %sub3A : i32
      %select_n3A = arith.select %and3A, %sub3A_40, %div3A : i32
      %jit3A_41 = arith.constant 32 : i32
      %eq3A = arith.constant 0 : i32
      %eq3A_42 = arith.cmpi eq, %jit3A_41, %eq3A : i32
      %jit3A_43 = arith.constant 1 : i32
      %select_n3A_44 = arith.select %eq3A_42, %jit3A_43, %jit3A_41 : i32
      %rem3A_45 = arith.remsi %add3A_24, %select_n3A_44 : i32
      %ne3A_46 = arith.constant 0 : i32
      %ne3A_47 = arith.cmpi ne, %rem3A_45, %ne3A_46 : i32
      %lt3A = arith.constant 0 : i32
      %lt3A_48 = arith.cmpi slt, %rem3A_45, %lt3A : i32
      %lt3A_49 = arith.constant 0 : i32
      %lt3A_50 = arith.cmpi slt, %select_n3A_44, %lt3A_49 : i32
      %ne3A_51 = arith.xori %lt3A_48, %lt3A_50 : i1
      %and3A_52 = arith.andi %ne3A_51, %ne3A_47 : i1
      %add3A_53 = arith.addi %rem3A_45, %select_n3A_44 : i32
      %select_n3A_54 = arith.select %and3A_52, %add3A_53, %rem3A_45 : i32
      %eq3A_55 = arith.constant 0 : i32
      %eq3A_56 = arith.cmpi eq, %scan3A_21, %eq3A_55 : i32
      %sub3A_57 = arith.constant 1 : i32
      %sub3A_58 = arith.subi %add3A_24, %sub3A_57 : i32
      %jit3A_59 = arith.constant 32 : i32
      %div3A_60 = arith.divsi %sub3A_58, %jit3A_59 : i32
      %sign3A_61 = arith.constant 0 : i32
      %sign3A_62 = arith.cmpi sgt, %sub3A_58, %sign3A_61 : i32
      %sign3A_63 = arith.extui %sign3A_62 : i1 to i32
      %sign3A_64 = arith.constant 0 : i32
      %sign3A_65 = arith.cmpi slt, %sub3A_58, %sign3A_64 : i32
      %sign3A_66 = arith.extui %sign3A_65 : i1 to i32
      %sign3A_67 = arith.subi %sign3A_63, %sign3A_66 : i32
      %sign3A_68 = arith.constant 0 : i32
      %sign3A_69 = arith.cmpi sgt, %jit3A_59, %sign3A_68 : i32
      %sign3A_70 = arith.extui %sign3A_69 : i1 to i32
      %sign3A_71 = arith.constant 0 : i32
      %sign3A_72 = arith.cmpi slt, %jit3A_59, %sign3A_71 : i32
      %sign3A_73 = arith.extui %sign3A_72 : i1 to i32
      %sign3A_74 = arith.subi %sign3A_70, %sign3A_73 : i32
      %ne3A_75 = arith.cmpi ne, %sign3A_67, %sign3A_74 : i32
      %rem3A_76 = arith.remsi %sub3A_58, %jit3A_59 : i32
      %ne3A_77 = arith.constant 0 : i32
      %ne3A_78 = arith.cmpi ne, %rem3A_76, %ne3A_77 : i32
      %and3A_79 = arith.andi %ne3A_75, %ne3A_78 : i1
      %sub3A_80 = arith.constant 1 : i32
      %sub3A_81 = arith.subi %div3A_60, %sub3A_80 : i32
      %select_n3A_82 = arith.select %and3A_79, %sub3A_81, %div3A_60 : i32
      %ne3A_83 = arith.cmpi ne, %select_n3A, %select_n3A_82 : i32
      %or3A = arith.ori %eq3A_56, %ne3A_83 : i1
      %convert_element_type3A = arith.extui %or3A : i1 to i32
      %cond3A = arith.constant 0 : i32
      %cond3A_84 = arith.cmpi ne, %convert_element_type3A, %cond3A : i32
      scf.if %cond3A_84 {
        "tpu.region"() ({
          %run_scoped3A = tpu.sem_alloc : memref<!tpu.dma_semaphore, #tpu.memory_space<semaphore_mem>>
          %dma_start3A_147 = arith.constant 0 : i32
          %dma_start3A_148 = tpu.memref_slice %arg2[%select_n3A, %dma_start3A_147] : memref<26x16384xi32, #tpu.memory_space<hbm>> -> memref<1x16384xi32, #tpu.memory_space<hbm>>
          %dma_start3A_149 = tpu.memref_squeeze %dma_start3A_148 : memref<1x16384xi32, #tpu.memory_space<hbm>> -> memref<16384xi32, #tpu.memory_space<hbm>>
          %dma_start3A_150 = arith.constant 0 : i32
          %dma_start3A_151 = tpu.memref_slice %arg2[%select_n3A, %dma_start3A_150] : memref<26x16384xi32, #tpu.memory_space<hbm>> -> memref<1x16384xi32, #tpu.memory_space<hbm>>
          %dma_start3A_152 = tpu.memref_squeeze %dma_start3A_151 : memref<1x16384xi32, #tpu.memory_space<hbm>> -> memref<16384xi32, #tpu.memory_space<hbm>>
          tpu.enqueue_dma source(%dma_start3A_152 : memref<16384xi32, #tpu.memory_space<hbm>>) target(%arg6 : memref<16384xi32, #tpu.memory_space<vmem>>) target_semaphore(%run_scoped3A : memref<!tpu.dma_semaphore, #tpu.memory_space<semaphore_mem>>)
          %dma_wait3A_153 = arith.constant 0 : i32
          %dma_wait3A_154 = tpu.memref_slice %arg2[%select_n3A, %dma_wait3A_153] : memref<26x16384xi32, #tpu.memory_space<hbm>> -> memref<1x16384xi32, #tpu.memory_space<hbm>>
          %dma_wait3A_155 = tpu.memref_squeeze %dma_wait3A_154 : memref<1x16384xi32, #tpu.memory_space<hbm>> -> memref<16384xi32, #tpu.memory_space<hbm>>
          %dma_wait3A_156 = arith.constant 0 : i32
          %dma_wait3A_157 = tpu.memref_slice %arg2[%select_n3A, %dma_wait3A_156] : memref<26x16384xi32, #tpu.memory_space<hbm>> -> memref<1x16384xi32, #tpu.memory_space<hbm>>
          %dma_wait3A_158 = tpu.memref_squeeze %dma_wait3A_157 : memref<1x16384xi32, #tpu.memory_space<hbm>> -> memref<16384xi32, #tpu.memory_space<hbm>>
          tpu.wait_dma2 semaphore(%run_scoped3A : memref<!tpu.dma_semaphore, #tpu.memory_space<semaphore_mem>>) src(%dma_wait3A_158 : memref<16384xi32, #tpu.memory_space<hbm>>) dst(%arg6 : memref<16384xi32, #tpu.memory_space<vmem>>)
          tpu.yield
        }) : () -> ()
      } else {
      }
      %dma_start3A = arith.constant 0 : i32
      %dma_start3A_85 = tpu.memref_slice %arg3[%select_n3A, %select_n3A_54, %dma_start3A] : memref<26x32x100000xf32, #tpu.memory_space<hbm>> -> memref<1x1x100000xf32, #tpu.memory_space<hbm>>
      %dma_start3A_86 = tpu.memref_squeeze %dma_start3A_85 : memref<1x1x100000xf32, #tpu.memory_space<hbm>> -> memref<100000xf32, #tpu.memory_space<hbm>>
      %dma_start3A_87 = arith.constant 0 : i32
      %dma_start3A_88 = tpu.memref_slice %arg3[%select_n3A, %select_n3A_54, %dma_start3A_87] : memref<26x32x100000xf32, #tpu.memory_space<hbm>> -> memref<1x1x100000xf32, #tpu.memory_space<hbm>>
      %dma_start3A_89 = tpu.memref_squeeze %dma_start3A_88 : memref<1x1x100000xf32, #tpu.memory_space<hbm>> -> memref<100000xf32, #tpu.memory_space<hbm>>
      tpu.enqueue_dma source(%dma_start3A_89 : memref<100000xf32, #tpu.memory_space<hbm>>) target(%arg5 : memref<100000xf32, #tpu.memory_space<vmem>>) target_semaphore(%arg11 : memref<!tpu.dma_semaphore, #tpu.memory_space<semaphore_mem>>)
      %gt3A = arith.constant 0 : i32
      %gt3A_90 = arith.cmpi sgt, %scan3A_21, %gt3A : i32
      %convert_element_type3A_91 = arith.extui %gt3A_90 : i1 to i32
      %cond3A_92 = arith.constant 0 : i32
      %cond3A_93 = arith.cmpi ne, %convert_element_type3A_91, %cond3A_92 : i32
      scf.if %cond3A_93 {
        %dma_wait3A_147 = arith.constant 0 : i32
        %dma_wait3A_148 = tpu.memref_slice %arg4[%add3A_24, %dma_wait3A_147] : memref<832x16384xf32, #tpu.memory_space<hbm>> -> memref<1x4096xf32, #tpu.memory_space<hbm>>
        %dma_wait3A_149 = tpu.memref_squeeze %dma_wait3A_148 : memref<1x4096xf32, #tpu.memory_space<hbm>> -> memref<4096xf32, #tpu.memory_space<hbm>>
        %dma_wait3A_150 = arith.constant 0 : i32
        %dma_wait3A_151 = tpu.memref_slice %arg4[%add3A_24, %dma_wait3A_150] : memref<832x16384xf32, #tpu.memory_space<hbm>> -> memref<1x4096xf32, #tpu.memory_space<hbm>>
        %dma_wait3A_152 = tpu.memref_squeeze %dma_wait3A_151 : memref<1x4096xf32, #tpu.memory_space<hbm>> -> memref<4096xf32, #tpu.memory_space<hbm>>
        tpu.wait_dma2 semaphore(%arg9 : memref<!tpu.dma_semaphore, #tpu.memory_space<semaphore_mem>>) src(%arg7 : memref<4096xf32, #tpu.memory_space<vmem>>) dst(%dma_wait3A_152 : memref<4096xf32, #tpu.memory_space<hbm>>)
        %dma_wait3A_153 = arith.constant 0 : i32
        %dma_wait3A_154 = tpu.memref_slice %arg4[%add3A_24, %dma_wait3A_153] : memref<832x16384xf32, #tpu.memory_space<hbm>> -> memref<1x4096xf32, #tpu.memory_space<hbm>>
        %dma_wait3A_155 = tpu.memref_squeeze %dma_wait3A_154 : memref<1x4096xf32, #tpu.memory_space<hbm>> -> memref<4096xf32, #tpu.memory_space<hbm>>
        %dma_wait3A_156 = arith.constant 0 : i32
        %dma_wait3A_157 = tpu.memref_slice %arg4[%add3A_24, %dma_wait3A_156] : memref<832x16384xf32, #tpu.memory_space<hbm>> -> memref<1x4096xf32, #tpu.memory_space<hbm>>
        %dma_wait3A_158 = tpu.memref_squeeze %dma_wait3A_157 : memref<1x4096xf32, #tpu.memory_space<hbm>> -> memref<4096xf32, #tpu.memory_space<hbm>>
        tpu.wait_dma2 semaphore(%arg10 : memref<!tpu.dma_semaphore, #tpu.memory_space<semaphore_mem>>) src(%arg8 : memref<4096xf32, #tpu.memory_space<vmem>>) dst(%dma_wait3A_158 : memref<4096xf32, #tpu.memory_space<hbm>>)
      } else {
      }
      %dma_wait3A_94 = arith.constant 0 : i32
      %dma_wait3A_95 = tpu.memref_slice %arg3[%select_n3A, %select_n3A_54, %dma_wait3A_94] : memref<26x32x100000xf32, #tpu.memory_space<hbm>> -> memref<1x1x100000xf32, #tpu.memory_space<hbm>>
      %dma_wait3A_96 = tpu.memref_squeeze %dma_wait3A_95 : memref<1x1x100000xf32, #tpu.memory_space<hbm>> -> memref<100000xf32, #tpu.memory_space<hbm>>
      %dma_wait3A_97 = arith.constant 0 : i32
      %dma_wait3A_98 = tpu.memref_slice %arg3[%select_n3A, %select_n3A_54, %dma_wait3A_97] : memref<26x32x100000xf32, #tpu.memory_space<hbm>> -> memref<1x1x100000xf32, #tpu.memory_space<hbm>>
      %dma_wait3A_99 = tpu.memref_squeeze %dma_wait3A_98 : memref<1x1x100000xf32, #tpu.memory_space<hbm>> -> memref<100000xf32, #tpu.memory_space<hbm>>
      tpu.wait_dma2 semaphore(%arg11 : memref<!tpu.dma_semaphore, #tpu.memory_space<semaphore_mem>>) src(%dma_wait3A_99 : memref<100000xf32, #tpu.memory_space<hbm>>) dst(%arg5 : memref<100000xf32, #tpu.memory_space<vmem>>)
      %parallel_loop3A = arith.constant 0 : i32
      %parallel_loop3A_100 = arith.constant 4096 : i32
      %parallel_loop3A_101 = arith.constant 16 : i32
      scf.for %parallel_loop3A_147 = %parallel_loop3A to %parallel_loop3A_100 step %parallel_loop3A_101  : i32 {
        %parallel_loop3A_148 = arith.constant 0 : i32
        %parallel_loop3A_149 = arith.addi %parallel_loop3A_148, %parallel_loop3A_147 : i32
        %parallel_loop3A_150 = arith.index_cast %parallel_loop3A_149 : i32 to index
        %parallel_loop3A_151 = tpu.vector_load %arg6[%parallel_loop3A_150] {strides = array<i32>} : memref<16384xi32, #tpu.memory_space<vmem>>, vector<16xi32>,
        %parallel_loop3A_152 = tpu.vector_load_idx %arg5[%parallel_loop3A_151] : memref<100000xf32, #tpu.memory_space<vmem>>[vector<16xi32>], vector<16xf32>,
        %parallel_loop3A_153 = arith.index_cast %parallel_loop3A_147 : i32 to index
        %parallel_loop3A_154 = tpu.vector_load %arg7[%parallel_loop3A_153] {strides = array<i32>} : memref<4096xf32, #tpu.memory_space<vmem>>, vector<16xf32>,
        tpu.vector_store %arg7[%parallel_loop3A_153], %parallel_loop3A_152 {strides = array<i32>} : memref<4096xf32, #tpu.memory_space<vmem>>, vector<16xf32>,
      } {sc.loop_unroll_factor = 16 : i64, sc.parallel_access}
      %dma_start3A_102 = arith.constant 0 : i32
      %dma_start3A_103 = tpu.memref_slice %arg4[%add3A_24, %dma_start3A_102] : memref<832x16384xf32, #tpu.memory_space<hbm>> -> memref<1x4096xf32, #tpu.memory_space<hbm>>
      %dma_start3A_104 = tpu.memref_squeeze %dma_start3A_103 : memref<1x4096xf32, #tpu.memory_space<hbm>> -> memref<4096xf32, #tpu.memory_space<hbm>>
      %dma_start3A_105 = arith.constant 0 : i32
      %dma_start3A_106 = tpu.memref_slice %arg4[%add3A_24, %dma_start3A_105] : memref<832x16384xf32, #tpu.memory_space<hbm>> -> memref<1x4096xf32, #tpu.memory_space<hbm>>
      %dma_start3A_107 = tpu.memref_squeeze %dma_start3A_106 : memref<1x4096xf32, #tpu.memory_space<hbm>> -> memref<4096xf32, #tpu.memory_space<hbm>>
      tpu.enqueue_dma source(%arg7 : memref<4096xf32, #tpu.memory_space<vmem>>) target(%dma_start3A_107 : memref<4096xf32, #tpu.memory_space<hbm>>) target_semaphore(%arg9 : memref<!tpu.dma_semaphore, #tpu.memory_space<semaphore_mem>>)
      %parallel_loop3A_108 = arith.constant 0 : i32
      %parallel_loop3A_109 = arith.constant 4096 : i32
      %parallel_loop3A_110 = arith.constant 16 : i32
      scf.for %parallel_loop3A_147 = %parallel_loop3A_108 to %parallel_loop3A_109 step %parallel_loop3A_110  : i32 {
        %parallel_loop3A_148 = arith.constant 4096 : i32
        %parallel_loop3A_149 = arith.addi %parallel_loop3A_148, %parallel_loop3A_147 : i32
        %parallel_loop3A_150 = arith.index_cast %parallel_loop3A_149 : i32 to index
        %parallel_loop3A_151 = tpu.vector_load %arg6[%parallel_loop3A_150] {strides = array<i32>} : memref<16384xi32, #tpu.memory_space<vmem>>, vector<16xi32>,
        %parallel_loop3A_152 = tpu.vector_load_idx %arg5[%parallel_loop3A_151] : memref<100000xf32, #tpu.memory_space<vmem>>[vector<16xi32>], vector<16xf32>,
        %parallel_loop3A_153 = arith.index_cast %parallel_loop3A_147 : i32 to index
        %parallel_loop3A_154 = tpu.vector_load %arg8[%parallel_loop3A_153] {strides = array<i32>} : memref<4096xf32, #tpu.memory_space<vmem>>, vector<16xf32>,
        tpu.vector_store %arg8[%parallel_loop3A_153], %parallel_loop3A_152 {strides = array<i32>} : memref<4096xf32, #tpu.memory_space<vmem>>, vector<16xf32>,
      } {sc.loop_unroll_factor = 16 : i64, sc.parallel_access}
      %dma_start3A_111 = arith.constant 4096 : i32
      %dma_start3A_112 = tpu.memref_slice %arg4[%add3A_24, %dma_start3A_111] : memref<832x16384xf32, #tpu.memory_space<hbm>> -> memref<1x4096xf32, #tpu.memory_space<hbm>>
      %dma_start3A_113 = tpu.memref_squeeze %dma_start3A_112 : memref<1x4096xf32, #tpu.memory_space<hbm>> -> memref<4096xf32, #tpu.memory_space<hbm>>
      %dma_start3A_114 = arith.constant 4096 : i32
      %dma_start3A_115 = tpu.memref_slice %arg4[%add3A_24, %dma_start3A_114] : memref<832x16384xf32, #tpu.memory_space<hbm>> -> memref<1x4096xf32, #tpu.memory_space<hbm>>
      %dma_start3A_116 = tpu.memref_squeeze %dma_start3A_115 : memref<1x4096xf32, #tpu.memory_space<hbm>> -> memref<4096xf32, #tpu.memory_space<hbm>>
      tpu.enqueue_dma source(%arg8 : memref<4096xf32, #tpu.memory_space<vmem>>) target(%dma_start3A_116 : memref<4096xf32, #tpu.memory_space<hbm>>) target_semaphore(%arg10 : memref<!tpu.dma_semaphore, #tpu.memory_space<semaphore_mem>>)
      %dma_wait3A_117 = arith.constant 0 : i32
      %dma_wait3A_118 = tpu.memref_slice %arg4[%add3A_24, %dma_wait3A_117] : memref<832x16384xf32, #tpu.memory_space<hbm>> -> memref<1x4096xf32, #tpu.memory_space<hbm>>
      %dma_wait3A_119 = tpu.memref_squeeze %dma_wait3A_118 : memref<1x4096xf32, #tpu.memory_space<hbm>> -> memref<4096xf32, #tpu.memory_space<hbm>>
      %dma_wait3A_120 = arith.constant 0 : i32
      %dma_wait3A_121 = tpu.memref_slice %arg4[%add3A_24, %dma_wait3A_120] : memref<832x16384xf32, #tpu.memory_space<hbm>> -> memref<1x4096xf32, #tpu.memory_space<hbm>>
      %dma_wait3A_122 = tpu.memref_squeeze %dma_wait3A_121 : memref<1x4096xf32, #tpu.memory_space<hbm>> -> memref<4096xf32, #tpu.memory_space<hbm>>
      tpu.wait_dma2 semaphore(%arg9 : memref<!tpu.dma_semaphore, #tpu.memory_space<semaphore_mem>>) src(%arg7 : memref<4096xf32, #tpu.memory_space<vmem>>) dst(%dma_wait3A_122 : memref<4096xf32, #tpu.memory_space<hbm>>)
      %parallel_loop3A_123 = arith.constant 0 : i32
      %parallel_loop3A_124 = arith.constant 4096 : i32
      %parallel_loop3A_125 = arith.constant 16 : i32
      scf.for %parallel_loop3A_147 = %parallel_loop3A_123 to %parallel_loop3A_124 step %parallel_loop3A_125  : i32 {
        %parallel_loop3A_148 = arith.constant 8192 : i32
        %parallel_loop3A_149 = arith.addi %parallel_loop3A_148, %parallel_loop3A_147 : i32
        %parallel_loop3A_150 = arith.index_cast %parallel_loop3A_149 : i32 to index
        %parallel_loop3A_151 = tpu.vector_load %arg6[%parallel_loop3A_150] {strides = array<i32>} : memref<16384xi32, #tpu.memory_space<vmem>>, vector<16xi32>,
        %parallel_loop3A_152 = tpu.vector_load_idx %arg5[%parallel_loop3A_151] : memref<100000xf32, #tpu.memory_space<vmem>>[vector<16xi32>], vector<16xf32>,
        %parallel_loop3A_153 = arith.index_cast %parallel_loop3A_147 : i32 to index
        %parallel_loop3A_154 = tpu.vector_load %arg7[%parallel_loop3A_153] {strides = array<i32>} : memref<4096xf32, #tpu.memory_space<vmem>>, vector<16xf32>,
        tpu.vector_store %arg7[%parallel_loop3A_153], %parallel_loop3A_152 {strides = array<i32>} : memref<4096xf32, #tpu.memory_space<vmem>>, vector<16xf32>,
      } {sc.loop_unroll_factor = 16 : i64, sc.parallel_access}
      %dma_start3A_126 = arith.constant 8192 : i32
      %dma_start3A_127 = tpu.memref_slice %arg4[%add3A_24, %dma_start3A_126] : memref<832x16384xf32, #tpu.memory_space<hbm>> -> memref<1x4096xf32, #tpu.memory_space<hbm>>
      %dma_start3A_128 = tpu.memref_squeeze %dma_start3A_127 : memref<1x4096xf32, #tpu.memory_space<hbm>> -> memref<4096xf32, #tpu.memory_space<hbm>>
      %dma_start3A_129 = arith.constant 8192 : i32
      %dma_start3A_130 = tpu.memref_slice %arg4[%add3A_24, %dma_start3A_129] : memref<832x16384xf32, #tpu.memory_space<hbm>> -> memref<1x4096xf32, #tpu.memory_space<hbm>>
      %dma_start3A_131 = tpu.memref_squeeze %dma_start3A_130 : memref<1x4096xf32, #tpu.memory_space<hbm>> -> memref<4096xf32, #tpu.memory_space<hbm>>
      tpu.enqueue_dma source(%arg7 : memref<4096xf32, #tpu.memory_space<vmem>>) target(%dma_start3A_131 : memref<4096xf32, #tpu.memory_space<hbm>>) target_semaphore(%arg9 : memref<!tpu.dma_semaphore, #tpu.memory_space<semaphore_mem>>)
      %dma_wait3A_132 = arith.constant 0 : i32
      %dma_wait3A_133 = tpu.memref_slice %arg4[%add3A_24, %dma_wait3A_132] : memref<832x16384xf32, #tpu.memory_space<hbm>> -> memref<1x4096xf32, #tpu.memory_space<hbm>>
      %dma_wait3A_134 = tpu.memref_squeeze %dma_wait3A_133 : memref<1x4096xf32, #tpu.memory_space<hbm>> -> memref<4096xf32, #tpu.memory_space<hbm>>
      %dma_wait3A_135 = arith.constant 0 : i32
      %dma_wait3A_136 = tpu.memref_slice %arg4[%add3A_24, %dma_wait3A_135] : memref<832x16384xf32, #tpu.memory_space<hbm>> -> memref<1x4096xf32, #tpu.memory_space<hbm>>
      %dma_wait3A_137 = tpu.memref_squeeze %dma_wait3A_136 : memref<1x4096xf32, #tpu.memory_space<hbm>> -> memref<4096xf32, #tpu.memory_space<hbm>>
      tpu.wait_dma2 semaphore(%arg10 : memref<!tpu.dma_semaphore, #tpu.memory_space<semaphore_mem>>) src(%arg8 : memref<4096xf32, #tpu.memory_space<vmem>>) dst(%dma_wait3A_137 : memref<4096xf32, #tpu.memory_space<hbm>>)
      %parallel_loop3A_138 = arith.constant 0 : i32
      %parallel_loop3A_139 = arith.constant 4096 : i32
      %parallel_loop3A_140 = arith.constant 16 : i32
      scf.for %parallel_loop3A_147 = %parallel_loop3A_138 to %parallel_loop3A_139 step %parallel_loop3A_140  : i32 {
        %parallel_loop3A_148 = arith.constant 12288 : i32
        %parallel_loop3A_149 = arith.addi %parallel_loop3A_148, %parallel_loop3A_147 : i32
        %parallel_loop3A_150 = arith.index_cast %parallel_loop3A_149 : i32 to index
        %parallel_loop3A_151 = tpu.vector_load %arg6[%parallel_loop3A_150] {strides = array<i32>} : memref<16384xi32, #tpu.memory_space<vmem>>, vector<16xi32>,
        %parallel_loop3A_152 = tpu.vector_load_idx %arg5[%parallel_loop3A_151] : memref<100000xf32, #tpu.memory_space<vmem>>[vector<16xi32>], vector<16xf32>,
        %parallel_loop3A_153 = arith.index_cast %parallel_loop3A_147 : i32 to index
        %parallel_loop3A_154 = tpu.vector_load %arg8[%parallel_loop3A_153] {strides = array<i32>} : memref<4096xf32, #tpu.memory_space<vmem>>, vector<16xf32>,
        tpu.vector_store %arg8[%parallel_loop3A_153], %parallel_loop3A_152 {strides = array<i32>} : memref<4096xf32, #tpu.memory_space<vmem>>, vector<16xf32>,
      } {sc.loop_unroll_factor = 16 : i64, sc.parallel_access}
      %dma_start3A_141 = arith.constant 12288 : i32
      %dma_start3A_142 = tpu.memref_slice %arg4[%add3A_24, %dma_start3A_141] : memref<832x16384xf32, #tpu.memory_space<hbm>> -> memref<1x4096xf32, #tpu.memory_space<hbm>>
      %dma_start3A_143 = tpu.memref_squeeze %dma_start3A_142 : memref<1x4096xf32, #tpu.memory_space<hbm>> -> memref<4096xf32, #tpu.memory_space<hbm>>
      %dma_start3A_144 = arith.constant 12288 : i32
      %dma_start3A_145 = tpu.memref_slice %arg4[%add3A_24, %dma_start3A_144] : memref<832x16384xf32, #tpu.memory_space<hbm>> -> memref<1x4096xf32, #tpu.memory_space<hbm>>
      %dma_start3A_146 = tpu.memref_squeeze %dma_start3A_145 : memref<1x4096xf32, #tpu.memory_space<hbm>> -> memref<4096xf32, #tpu.memory_space<hbm>>
      tpu.enqueue_dma source(%arg8 : memref<4096xf32, #tpu.memory_space<vmem>>) target(%dma_start3A_146 : memref<4096xf32, #tpu.memory_space<hbm>>) target_semaphore(%arg10 : memref<!tpu.dma_semaphore, #tpu.memory_space<semaphore_mem>>)
    }
    %scan3A_5 = arith.constant 26 : i32
    %mul3A_6 = arith.constant 26 : i32
    %mul3A_7 = arith.muli %add3A, %mul3A_6 : i32
    %dma_wait3A = arith.constant 0 : i32
    %dma_wait3A_8 = tpu.memref_slice %arg4[%mul3A_7, %dma_wait3A] : memref<832x16384xf32, #tpu.memory_space<hbm>> -> memref<1x4096xf32, #tpu.memory_space<hbm>>
    %dma_wait3A_9 = tpu.memref_squeeze %dma_wait3A_8 : memref<1x4096xf32, #tpu.memory_space<hbm>> -> memref<4096xf32, #tpu.memory_space<hbm>>
    %dma_wait3A_10 = arith.constant 0 : i32
    %dma_wait3A_11 = tpu.memref_slice %arg4[%mul3A_7, %dma_wait3A_10] : memref<832x16384xf32, #tpu.memory_space<hbm>> -> memref<1x4096xf32, #tpu.memory_space<hbm>>
    %dma_wait3A_12 = tpu.memref_squeeze %dma_wait3A_11 : memref<1x4096xf32, #tpu.memory_space<hbm>> -> memref<4096xf32, #tpu.memory_space<hbm>>
    tpu.wait_dma2 semaphore(%arg9 : memref<!tpu.dma_semaphore, #tpu.memory_space<semaphore_mem>>) src(%arg7 : memref<4096xf32, #tpu.memory_space<vmem>>) dst(%dma_wait3A_12 : memref<4096xf32, #tpu.memory_space<hbm>>)
    %mul3A_13 = arith.constant 26 : i32
    %mul3A_14 = arith.muli %add3A, %mul3A_13 : i32
    %dma_wait3A_15 = arith.constant 0 : i32
    %dma_wait3A_16 = tpu.memref_slice %arg4[%mul3A_14, %dma_wait3A_15] : memref<832x16384xf32, #tpu.memory_space<hbm>> -> memref<1x4096xf32, #tpu.memory_space<hbm>>
    %dma_wait3A_17 = tpu.memref_squeeze %dma_wait3A_16 : memref<1x4096xf32, #tpu.memory_space<hbm>> -> memref<4096xf32, #tpu.memory_space<hbm>>
    %dma_wait3A_18 = arith.constant 0 : i32
    %dma_wait3A_19 = tpu.memref_slice %arg4[%mul3A_14, %dma_wait3A_18] : memref<832x16384xf32, #tpu.memory_space<hbm>> -> memref<1x4096xf32, #tpu.memory_space<hbm>>
    %dma_wait3A_20 = tpu.memref_squeeze %dma_wait3A_19 : memref<1x4096xf32, #tpu.memory_space<hbm>> -> memref<4096xf32, #tpu.memory_space<hbm>>
    tpu.wait_dma2 semaphore(%arg10 : memref<!tpu.dma_semaphore, #tpu.memory_space<semaphore_mem>>) src(%arg8 : memref<4096xf32, #tpu.memory_space<vmem>>) dst(%dma_wait3A_20 : memref<4096xf32, #tpu.memory_space<hbm>>)
    return
  }
}

</mosaic_0001>

<sc_bundles>
// kernel: kernel.3.cloned.1.call-start
scs
__scs_entry_jumppad:
0x0: {  	(pc) =	sbr.rel $0x88, $3  }
0x1: {  	(tag) =	ssettag $0x0;
	lr =	simm.s32 $0x1  }
0x2: {  	[smem:$0x3F9F] =	sst lr;
	_ =	strace $0xD0000000  }
0x3: {  	_ = 	snop  }
0x4: {  	_ = 	snop  }
0x5: {  	_ = 	snop  }
0x6: {  	_ = 	snop  }
0x7: {  	_ = 	snop  }
__scs_overlays_trampoline_lowered:
0x8: {  	[smem:$0x3FAE] =	sst s0  }
0x9: {  	[smem:$0x3FAF] =	sst s1  }
0xa: {  	[smem:$0x3FB0] =	sst s2  }
0xb: {  	[smem:$0x3FB1] =	sst s3  }
0xc: {  	[smem:$0x3FB2] =	sst s4  }
0xd: {  	[smem:$0x3FB3] =	sst s5  }
0xe: {  	[smem:$0x3FB4] =	sst s6  }
0xf: {  	[smem:$0x3FB5] =	sst s7  }
0x10: {  	[smem:$0x3FB6] =	sst s8  }
0x11: {  	[smem:$0x3FB7] =	sst s9;
	s0 =	simm.s32 @!p0 $0x0  }
0x12: {  	s1 =	sld [smem:$0x3F9D];
	s0 =	simm.s32 @p0 $0x1  }
0x13: {  	[smem:$0x3FB8] =	sst s0;
	s0 =	simm.s32 @!p1 $0x0  }
0x14: {  	s2 =	sld [smem:$0x3F9C];
	s0 =	simm.s32 @p1 $0x1  }
0x15: {  	[smem:$0x3FB9] =	sst s0;
	s0 =	simm.s32 @!p2 $0x0  }
0x16: {  	s3 =	sld [smem:$0x3FDB];
	s0 =	simm.s32 @p2 $0x1  }
0x17: {  	s4 =	simm.s32 $0x1BF5;
	[smem:$0x3FBB] =	sst s0  }
0x18: {  	s0 =	sld [smem:$0x3F9E];
	_ =	swait.ge [sflag:s4], $0x0  }
0x19: {  	s7 =	sld [smem:$0x3F9F]  }
0x1a: {  	s8 =	sadd.s32 $0xFFFFE003, lr  }
0x1b: {  	s9 =	sadd.s32 $0xFFFFFEF7, lr;
	s5 =	simm.s32 $0xFFFFFFFF;
	p2 =	slt.u32 s8, $0xFFFFF086  }
0x1c: {  	p1 =	slt.u32 s9, $0xF7A;
	s5 =	simm.s32 @!p2 $0x0  }
0x1d: {  	s5 =	simm.s32 @p1 $0x1;
	p0 =	seq.s32 s7, s2  }
0x1e: {  	s7 =	smul.u32 @!p0 $0xF7A, s2;
	p2 =	seq.s32 @!p0 s5, $0x0  }
0x1f: {  	s9 =	smul.u32 $0xF7A, s1;
	s8 =	simm.s32 @!p0 $0x1BF5;
	p2 =	por !p2, p0  }
0x20: {  	[sflag:s8] =	ssyncset.s32 @!p0 $0xFFFFF086;
	s6 =	sadd.s32 @!p0 s3, s7;
	s7 =	simm.s32 @!p0 $0x108  }
0x21: {  	s3 =	sadd.s32 s3, s9;
	s6 =	sadd.s32 @!p0 $0x88, s6;
	s7 =	simm.s32 @p2 $0x1082  }
0x22: {  	[simem:s7], [sflag:s8] =	dma.local @!p0 [hbm:s6], $0xF7A  }
0x23: {  	s9 =	sor.u32 $0xD0000000, s2;
	s6 =	simm.s32 $0x108;
	_ =	swait.ge @!p0 [sflag:s8], $0x0  }
0x24: {  	s3 =	sadd.s32 $0x88, s3;
	s6 =	simm.s32 @!p1 $0x1082;
	[sflag:s4] =	ssyncset.s32 $0xFFFFF086  }
0x25: {  	[simem:s6], [sflag:s4] =	dma.local [hbm:s3], $0xF7A  }
0x26: {  	[smem:$0x3F9F] =	sst s1;
	(tag) =	ssettag s2;
	_ =	strace s9  }
0x27: {  	s1 =	sld [smem:$0x3FAF]  }
0x28: {  	s2 =	sld [smem:$0x3FB0]  }
0x29: {  	s4 =	sld [smem:$0x3FB2]  }
0x2a: {  	p0 =	seq.s32 s5, $0x0;
	s5 =	sld [smem:$0x3FB3]  }
0x2b: {  	s6 =	sld [smem:$0x3FB4]  }
0x2c: {  	s7 =	sld [smem:$0x3FB5]  }
0x2d: {  	s3 =	simm.s32 $0x108;
	s8 =	sld [smem:$0x3FB6]  }
0x2e: {  	s3 =	simm.s32 @!p0 $0x1082;
	s9 =	sld [smem:$0x3FB7]  }
0x2f: {  	lr =	sadd.s32 s0, s3;
	s0 =	sld [smem:$0x3FAE]  }
0x30: {  	s3 =	sld [smem:$0x3FB1]  }
0x31: {  	[smem:$0x3FBA] =	sst s10  }
0x32: {  	s10 =	sld [smem:$0x3FB8];
	_ =	sdelay $0x3  }
0x33: {  	p0 =	seq.s32 s10, $0x1;
	s10 =	sld [smem:$0x3FBA];
	_ =	sdelay $0x3  }
0x34: {  	[smem:$0x3FBA] =	sst s10  }
0x35: {  	s10 =	sld [smem:$0x3FB9];
	_ =	sdelay $0x3  }
0x36: {  	p1 =	seq.s32 s10, $0x1;
	s10 =	sld [smem:$0x3FBA];
	_ =	sdelay $0x3  }
0x37: {  	[smem:$0x3FBA] =	sst s10  }
0x38: {  	s10 =	sld [smem:$0x3FBB]  }
0x39: {  	_ = 	snop;
	(pc) =	sbr.ind lr, $3  }
0x3a: {  	_ = 	snop  }
0x3b: {  	_ = 	snop  }
0x3c: {  	p2 =	seq.s32 s10, $0x1;
	s10 =	sld [smem:$0x3FBA]  }
0x3d: {  	_ =	shalt  }
0x3e: {  	_ =	shalt  }
0x3f: {  	_ =	shalt  }
0x40: {  	_ =	shalt  }
0x41: {  	_ =	shalt  }
0x42: {  	_ =	shalt  }
0x43: {  	_ =	shalt  }
0x44: {  	_ =	shalt  }
0x45: {  	_ =	shalt  }
0x46: {  	_ =	shalt  }
0x47: {  	_ =	shalt  }
0x48: {  	_ =	shalt  }
0x49: {  	_ =	shalt  }
0x4a: {  	_ =	shalt  }
0x4b: {  	_ =	shalt  }
0x4c: {  	_ =	shalt  }
0x4d: {  	_ =	shalt  }
0x4e: {  	_ =	shalt  }
0x4f: {  	_ =	shalt  }
0x50: {  	_ =	shalt  }
0x51: {  	_ =	shalt  }
0x52: {  	_ =	shalt  }
0x53: {  	_ =	shalt  }
0x54: {  	_ =	shalt  }
0x55: {  	_ =	shalt  }
0x56: {  	_ =	shalt  }
0x57: {  	_ =	shalt  }
0x58: {  	_ =	shalt  }
0x59: {  	_ =	shalt  }
0x5a: {  	_ =	shalt  }
0x5b: {  	_ =	shalt  }
0x5c: {  	_ =	shalt  }
0x5d: {  	_ =	shalt  }
0x5e: {  	_ =	shalt  }
0x5f: {  	_ =	shalt  }
0x60: {  	_ =	shalt  }
0x61: {  	_ =	shalt  }
0x62: {  	_ =	shalt  }
0x63: {  	_ =	shalt  }
0x64: {  	_ =	shalt  }
0x65: {  	_ =	shalt  }
0x66: {  	_ =	shalt  }
0x67: {  	_ =	shalt  }
0x68: {  	_ =	shalt  }
0x69: {  	_ =	shalt  }
0x6a: {  	_ =	shalt  }
0x6b: {  	_ =	shalt  }
0x6c: {  	_ =	shalt  }
0x6d: {  	_ =	shalt  }
0x6e: {  	_ =	shalt  }
0x6f: {  	_ =	shalt  }
0x70: {  	_ =	shalt  }
0x71: {  	_ =	shalt  }
0x72: {  	_ =	shalt  }
0x73: {  	_ =	shalt  }
0x74: {  	_ =	shalt  }
0x75: {  	_ =	shalt  }
0x76: {  	_ =	shalt  }
0x77: {  	_ =	shalt  }
0x78: {  	_ =	shalt  }
0x79: {  	_ =	shalt  }
0x7a: {  	_ =	shalt  }
0x7b: {  	_ =	shalt  }
0x7c: {  	_ =	shalt  }
0x7d: {  	_ =	shalt  }
0x7e: {  	_ =	shalt  }
0x7f: {  	_ =	shalt  }
0x80: {  	_ =	shalt  }
0x81: {  	_ =	shalt  }
0x82: {  	_ =	shalt  }
0x83: {  	_ =	shalt  }
0x84: {  	_ =	shalt  }
0x85: {  	_ =	shalt  }
0x86: {  	_ =	shalt  }
0x87: {  	_ =	shalt  }
.Lfunc_end0:
.L_simem_size_0:
called_computation_lowered:
.L_overlay_start_0:
0x88: {  	s2 =	sld [smem:$0x3FD9]  }
0x89: {  	s3 =	sld [smem:$0x3FFE];
	_ =	sdelay $0x1  }
0x8a: {  	s1 =	srdreg.scid  }
0x8b: {  	s0 =	sand.u32 $0x1, s1  }
0x8c: {  	s18 =	sshll.u32 s0, $0xA;
	s2 =	sadd.s32 s3, s2  }
0x8d: {  	s2 =	sadd.s32 s2, s18  }
0x8e: {  	[smem:$0x3FC6] =	sst s2  }
0x8f: {  	_ = 	snop  }
0x90: {  	s2 =	sld [smem:$0x3FC9]  }
0x91: {  	s19 =	sld [smem:$0x3FC8]  }
0x92: {  	s4 =	sld [smem:$0x3FD0];
	(tm) =	ssettm $0x1  }
0x93: {  	s5 =	sld [smem:$0x3FFB];
	_ =	sdelay $0x3  }
0x94: {  	_ =	strace s5  }
0x95: {  	s5 =	sld [smem:$0x3FFC];
	_ =	sdelay $0x3  }
0x96: {  	_ =	strace s5  }
0x97: {  	s5 =	sld [smem:$0x3FFD];
	_ =	sdelay $0x3  }
0x98: {  	_ =	strace s5  }
0x99: {  	_ =	strace $0x8FFFFFFF  }
0x9a: {  	s20 =	sld [smem:$0x3FDB];
	_ =	sdelay $0x1  }
0x9b: {  	s6 =	simm.s32 $_scs_section_size  }
0x9c: {  	s7 =	simm.s32 $_size__tile_overlayer_lowered;
	s8 =	simm.s32 $_tile_overlayer_lowered  }
0x9d: {  	s23 =	simm.s32 $0x1BFF;
	s22 =	sshll.u32 s8, $0x1;
	s5 =	sadd.s32 s6, s20  }
0x9e: {  	s9 =	simm.s32 $0x0;
	s21 =	sshll.u32 s7, $0x1;
	s7 =	sadd.s32 s22, s5  }
0x9f: {  	[timem:s9], [sflag:s23] =	dma.local [hbm:s7], s21  }
0xa0: {  	_ =	swait.ge [sflag:s23], s21  }
0xa1: {  	s6 =	ssub.s32 $0x0, s21;
	[sflag:s23] =	ssyncset.done $0x0  }
0xa2: {  	[sflag:s23] =	ssyncadd.s32 s6;
	_ =	sdelay $0x1  }
0xa3: {  	s24 =	simm.s32 $0x1B8B  }
0xa4: {  	_ =	swait.ge [sflag:s24], $0x1  }
0xa5: {  	[sflag:s24] =	ssyncset.done $0x0  }
0xa6: {  	s25 =	simm.s32 $0x1B8E;
	[sflag:s24] =	ssyncadd.s32 $0xFFFFFFFF  }
0xa7: {  	s26 =	simm.s32 $execute0_lowered;
	[smem:$0x3FD2] =	sst s25  }
0xa8: {  	s6 =	sshll.u32 s26, $0x1;
	_ =	strace $0x80000046;
	[dreg:$0x1] =	wrdreg $0xFFFFFFFF  }
0xa9: {  	s28 =	simm.s32 $_size_execute0_lowered;
	s5 =	sadd.s32 s5, s6;
	[dreg:$0x0] =	wrdreg $0x0  }
0xaa: {  	s6 =	sshll.u32 s28, $0x1;
	[dreg:$0x2] =	wrdreg s5  }
0xab: {  	[dreg:$0x3] =	wrdreg s6  }
0xac: {  	[dreg:$0x4] =	wrdreg $0xC0  }
0xad: {  	_ =	task [dreg:s9], $0x5FFFF  }
0xae: {  	[dreg:$0x1] =	wrdreg $0xFFFFFFFF  }
0xaf: {  	[dreg:$0x0] =	wrdreg $0x60  }
0xb0: {  	[dreg:$0x2] =	wrdreg s2  }
0xb1: {  	[dreg:$0x3] =	wrdreg s19  }
0xb2: {  	[dreg:$0x4] =	wrdreg s4  }
0xb3: {  	[dreg:$0x5] =	wrdreg $0x9  }
0xb4: {  	_ =	task.clear_ibuf [dreg:s9], $0x6FFFF;
	_ =	strace $0x90000046  }
0xb5: {  	s29 =	simm.s32 $0x9;
	_ =	strace $0x80000048  }
0xb6: {  	_ =	swait.ge [sflag:s29], $0x1  }
0xb7: {  	[sflag:s29] =	ssyncadd.s32 $0xFFFFFFFF  }
0xb8: {  	_ =	strace $0x90000048  }
0xb9: {  	_ =	sfence  }
0xba: {  	s30 =	sld [smem:$0x0];
	_ =	sdelay $0x2  }
0xbb: {  	s31 =	sshll.u32 s1, $0xD;
	s1 =	sshrl.u32 s1, $0x2  }
0xbc: {  	s3 =	sand.u32 $0x4000, s31;
	s1 =	sadd.s32 s1, s30  }
0xbd: {  	s0 =	sor.u32 s3, s0;
	s1 =	sshll.u32 s1, $0x11  }
0xbe: {  	s0 =	sor.u32 s1, s0  }
0xbf: {  	s0 =	sadd.s32 $0x8F2B, s0  }
0xc0: {  	[sflag:s0] =	ssyncadd.remote.s32 $0x1  }
0xc1: {  	_ =	sfence.sel $0xFFFF  }
0xc2: {  	[dreg:$0x0] =	wrdreg $0xFFFFFFFF;
	(pc) =	sbr.abs _section_cstart, $3  }
0xc3: {  	[dreg:$0x1] =	wrdreg $0xFFFFFFFF  }
0xc4: {  	_ =	task.clear_ibuf [dreg:s9], $0x2FFFF;
	_ =	strace $0x9FFFFFFF  }
0xc5: {  	(tm) =	ssettm $0x7FFFFFFF  }
tec
execute0_lowered:
.L_overlay_start_1:
0x0: {  	(tag) =	ssettag $0x1  }
0x1: {  	s1 =	rddreg [dreg:$0x0]  }
0x2: {  	s2 =	rddreg [dreg:$0x1]  }
0x3: {  	s3 =	rddreg [dreg:$0x2]  }
0x4: {  	s4 =	srdreg.scid;
	s0 =	rddreg [dreg:$0x3];
	s5 =	simm.s32 $0x0  }
0x5: {  	s11 =	simm.s32 $0x1;
	s12 =	simm.s32 $0x80;
	s13 =	simm.s32 $0x400  }
0x6: {  	s14 =	simm.s32 $0x18700;
	s15 =	simm.s32 $0x4;
	s16 =	simm.s32 $0x3  }
0x7: {  	s17 =	simm.s32 $0x1C700;
	s18 =	simm.s32 $0x1D700;
	s19 =	simm.s32 $0x2  }
0x8: {  	s20 =	simm.s32 $0x0;
	s6 =	sand.u32 $0x1, s4;
	s4 =	stileid.u32  }
0x9: {  	[smem:$0x7FF] =	sst s5;
	s7 =	ssub.s32 $0x2, s6;
	s9 =	sshll.u32 s4, $0x1  }
0xa: {  	_ =	strace $0x80000047;
	s8 =	sshrl.u32 s7, $0x1;
	s6 =	sor.u32 s6, s9  }
0xb: {  	s9 =	sadd.s32 $0x3000, s3;
	s10 =	ssub.s32 s7, s8;
	s6 =	smul.u32 $0x1A, s6  }
0xc: {  	s7 =	sadd.s32 $0x1000, s3;
	s8 =	sadd.s32 $0x2000, s3;
	s10 =	smax.u32 s10, $0x1  }
.LBB2_1:
0xd: {  	s21 =	simm.s32 $0x0  }
.LBB2_2:
0xe: {  	s22 =	sadd.s32 s6, s21  }
0xf: {  	s23 =	sadd.s32 $0xFFFFFFFF, s22  }
0x10: {  	s24 =	sand.u32 $0x1F, s23  }
0x11: {  	p0 =	slt.u32 s22, $0x2;
	s25 =	sshra.s32 s23, $0x1F;
	p1 =	sne.s32 s24, $0x0  }
0x12: {  	s26 =	sshrl.u32 s25, $0x1B;
	p0 =	por !p0, !p1  }
0x13: {  	s24 =	simm.s32 $0x1;
	s23 =	sadd.s32 s26, s23;
	p0 =	por !p0, !p0  }
0x14: {  	s28 =	sshra.s32 s23, $0x5;
	s24 =	simm.s32 @!p0 $0x0  }
0x15: {  	s23 =	sshrl.u32 s22, $0x5;
	p0 =	seq.s32 s21, $0x0;
	s24 =	ssub.s32 s28, s24  }
0x16: {  	p1 =	seq.s32 @!p0 s23, s24  }
0x17: {  	p1 =	por p0, !p1  }
0x18: {  	s24 =	sshll.u32 @p1 s23, $0x4  }
0x19: {  	s25 =	sshll.u32 @p1 s23, $0xB;
	s24 =	sand.u32 @p1 $0x70, s24  }
0x1a: {  	s25 =	sand.u32 @p1 $0xFFFC000, s25;
	s24 =	sadd.s32 @p1 s1, s24  }
0x1b: {  	s29 =	sshrl.u32 s22, $0x3;
	s24 =	sadd.s32 @p1 s25, s24  }
0x1c: {  	[tilespmem:s14], [sflag:$0x4] =	stream.strided.gather @p1 [hbm4b:s24+s12], $0x4000, s13, s12, $0x38;
	[tilespmem:$0x1E700] =	vst v63  }
0x1d: {  	s23 =	smul.u32 $0x30E000, s23;
	s24 =	sand.u32 $0x3, s29  }
0x1e: {  	s24 =	smul.u32 $0xC3800, s24  }
0x1f: {  	s30 =	sshll.u32 s22, $0x7  }
0x20: {  	s24 =	sadd.s32 s23, s24;
	s23 =	sand.u32 $0x380, s30  }
0x21: {  	_ =	swait.ge @p1 [sflag:s15], $0x4000;
	s24 =	sor.u32 s23, s24  }
0x22: {  	[sflag:s15] =	ssyncset.done @p1 $0x0;
	s24 =	sshrl.u32 s24, $0x3  }
0x23: {  	[sflag:s15] =	ssyncadd.s32 @p1 $0xFFFFC000;
	s24 =	sadd.s32 s2, s24  }
0x24: {  	[tilespmem:s5], [sflag:$0x3] =	stream.strided.gather [hbm4b:s24+s12], $0x18700, s13, s12, $0x38;
	[tilespmem:$0x1E700] =	vst v63  }
0x25: {  	s24 =	simm.s32 @!p0 $0x1  }
0x26: {  	_ =	swait.ge @!p0 [sflag:s24], $0x1000  }
0x27: {  	[sflag:s24] =	ssyncset.done @!p0 $0x0  }
0x28: {  	[sflag:s24] =	ssyncadd.s32 @!p0 $0xFFFFF000;
	s24 =	simm.s32 @!p0 $0x2  }
0x29: {  	_ =	swait.ge @!p0 [sflag:s24], $0x1000  }
0x2a: {  	[sflag:s24] =	ssyncset.done @!p0 $0x0  }
0x2b: {  	[sflag:s24] =	ssyncadd.s32 @!p0 $0xFFFFF000  }
0x2c: {  	_ =	swait.ge [sflag:s16], $0x18700  }
0x2d: {  	[sflag:s16] =	ssyncset.done $0x0  }
0x2e: {  	s31 =	simm.s32 $0x18780;
	[sflag:s16] =	ssyncadd.s32 $0xFFFE7900  }
0x2f: {  	v0 =	vld [tilespmem:s31+$0x70]  }
0x30: {  	v1 =	vld [tilespmem:s31+$0xFFFFFF90]  }
0x31: {  	v2 =	vld [tilespmem:s31+$0xFFFFFFA0]  }
0x32: {  	v3 =	vld [tilespmem:s31+$0xFFFFFFB0]  }
0x33: {  	v4 =	vld [tilespmem:s31+$0xFFFFFFC0]  }
0x34: {  	v5 =	vld [tilespmem:s31+$0xFFFFFFD0]  }
0x35: {  	v6 =	vld [tilespmem:s31+$0xFFFFFFE0]  }
0x36: {  	v7 =	vld [tilespmem:s31+$0xFFFFFFF0]  }
0x37: {  	v8 =	vld [tilespmem:s31+$0x0]  }
0x38: {  	v9 =	vld [tilespmem:s31+$0x10]  }
0x39: {  	v10 =	vld [tilespmem:s31+$0x20]  }
0x3a: {  	v11 =	vld [tilespmem:s31+$0x30]  }
0x3b: {  	v12 =	vld [tilespmem:s31+$0x40]  }
0x3c: {  	v13 =	vld [tilespmem:s31+$0x50]  }
0x3d: {  	v14 =	vld [tilespmem:s31+$0x60]  }
0x3e: {  	v15 =	vld [tilespmem:s31+$0xFFFFFF80]  }
0x3f: {  	v0 =	vld.idx.msk [tilespmem:v0+s5+$0x0], $0xffff  }
0x40: {  	v1 =	vld.idx.msk [tilespmem:v1+s5+$0x0], $0xffff  }
0x41: {  	v2 =	vld.idx.msk [tilespmem:v2+s5+$0x0], $0xffff  }
0x42: {  	v3 =	vld.idx.msk [tilespmem:v3+s5+$0x0], $0xffff  }
0x43: {  	v4 =	vld.idx.msk [tilespmem:v4+s5+$0x0], $0xffff  }
0x44: {  	s24 =	simm.s32 $0x1C780;
	v5 =	vld.idx.msk [tilespmem:v5+s5+$0x0], $0xffff  }
0x45: {  	v6 =	vld.idx.msk [tilespmem:v6+s5+$0x0], $0xffff;
	[tilespmem:s24+$0x70] =	vst v0  }
0x46: {  	v7 =	vld.idx.msk [tilespmem:v7+s5+$0x0], $0xffff;
	[tilespmem:s24+$0xFFFFFF90] =	vst v1  }
0x47: {  	v15 =	vld.idx.msk [tilespmem:v15+s5+$0x0], $0xffff;
	[tilespmem:s24+$0xFFFFFFA0] =	vst v2  }
0x48: {  	v8 =	vld.idx.msk [tilespmem:v8+s5+$0x0], $0xffff;
	[tilespmem:s24+$0xFFFFFFB0] =	vst v3  }
0x49: {  	[tilespmem:s24+$0xFFFFFFC0] =	vst v4;
	v0 =	vld.idx.msk [tilespmem:v9+s5+$0x0], $0xffff  }
0x4a: {  	[tilespmem:s24+$0xFFFFFFD0] =	vst v5;
	v1 =	vld.idx.msk [tilespmem:v10+s5+$0x0], $0xffff  }
0x4b: {  	[tilespmem:s24+$0xFFFFFFE0] =	vst v6;
	v2 =	vld.idx.msk [tilespmem:v11+s5+$0x0], $0xffff  }
0x4c: {  	[tilespmem:s24+$0xFFFFFFF0] =	vst v7;
	v3 =	vld.idx.msk [tilespmem:v12+s5+$0x0], $0xffff  }
0x4d: {  	[tilespmem:s24+$0xFFFFFF80] =	vst v15;
	v4 =	vld.idx.msk [tilespmem:v13+s5+$0x0], $0xffff  }
0x4e: {  	s26 =	simm.s32 $0x18880;
	s25 =	simm.s32 $0x0;
	[tilespmem:s24+$0x0] =	vst v8;
	v5 =	vld.idx.msk [tilespmem:v14+s5+$0x0], $0xffff  }
.LBB2_3:
0x4f: {  	v6 =	vld [tilespmem:s26+$0x70];
	s25 =	sadd.s32 $0x100, s25;
	[tilespmem:s24+$0x10] =	vst v0  }
0x50: {  	v0 =	vld [tilespmem:s26+$0xFFFFFF90];
	p0 =	slt.u32 s25, $0xF00;
	[tilespmem:s24+$0x20] =	vst v1  }
0x51: {  	v1 =	vld [tilespmem:s26+$0xFFFFFFA0];
	[tilespmem:s24+$0x30] =	vst v2  }
0x52: {  	v2 =	vld [tilespmem:s26+$0xFFFFFFB0];
	[tilespmem:s24+$0x40] =	vst v3  }
0x53: {  	v3 =	vld [tilespmem:s26+$0xFFFFFFC0];
	[tilespmem:s24+$0x50] =	vst v4  }
0x54: {  	v4 =	vld [tilespmem:s26+$0xFFFFFFD0];
	[tilespmem:s24+$0x60] =	vst v5  }
0x55: {  	v5 =	vld [tilespmem:s26+$0xFFFFFFE0]  }
0x56: {  	v7 =	vld [tilespmem:s26+$0xFFFFFFF0]  }
0x57: {  	v6 =	vld.idx.msk [tilespmem:v6+s5+$0x0], $0xffff  }
0x58: {  	v8 =	vld [tilespmem:s26+$0x0]  }
0x59: {  	v9 =	vld [tilespmem:s26+$0x10]  }
0x5a: {  	v10 =	vld [tilespmem:s26+$0x20]  }
0x5b: {  	v11 =	vld [tilespmem:s26+$0x30]  }
0x5c: {  	s24 =	sadd.s32 $0x100, s24;
	v12 =	vld [tilespmem:s26+$0x40]  }
0x5d: {  	v13 =	vld [tilespmem:s26+$0x50];
	[tilespmem:s24+$0x70] =	vst v6  }
0x5e: {  	v6 =	vld [tilespmem:s26+$0x60]  }
0x5f: {  	v14 =	vld [tilespmem:s26+$0xFFFFFF80]  }
0x60: {  	v0 =	vld.idx.msk [tilespmem:v0+s5+$0x0], $0xffff  }
0x61: {  	v1 =	vld.idx.msk [tilespmem:v1+s5+$0x0], $0xffff  }
0x62: {  	v2 =	vld.idx.msk [tilespmem:v2+s5+$0x0], $0xffff  }
0x63: {  	v3 =	vld.idx.msk [tilespmem:v3+s5+$0x0], $0xffff  }
0x64: {  	v4 =	vld.idx.msk [tilespmem:v4+s5+$0x0], $0xffff  }
0x65: {  	v5 =	vld.idx.msk [tilespmem:v5+s5+$0x0], $0xffff  }
0x66: {  	[tilespmem:s24+$0xFFFFFF90] =	vst v0;
	v7 =	vld.idx.msk [tilespmem:v7+s5+$0x0], $0xffff  }
0x67: {  	v14 =	vld.idx.msk [tilespmem:v14+s5+$0x0], $0xffff;
	[tilespmem:s24+$0xFFFFFFA0] =	vst v1  }
0x68: {  	[tilespmem:s24+$0xFFFFFFB0] =	vst v2;
	v8 =	vld.idx.msk [tilespmem:v8+s5+$0x0], $0xffff  }
0x69: {  	[tilespmem:s24+$0xFFFFFFC0] =	vst v3;
	v0 =	vld.idx.msk [tilespmem:v9+s5+$0x0], $0xffff  }
.Ltmp0:
0x6a: {  	[tilespmem:s24+$0xFFFFFFD0] =	vst v4;
	v1 =	vld.idx.msk [tilespmem:v10+s5+$0x0], $0xffff;
	(pc) =	sbr.rel @p0 .LBB2_3-.Ltmp0, $4  }
0x6b: {  	[tilespmem:s24+$0xFFFFFFE0] =	vst v5;
	v2 =	vld.idx.msk [tilespmem:v11+s5+$0x0], $0xffff  }
0x6c: {  	[tilespmem:s24+$0xFFFFFFF0] =	vst v7;
	v3 =	vld.idx.msk [tilespmem:v12+s5+$0x0], $0xffff  }
0x6d: {  	[tilespmem:s24+$0xFFFFFF80] =	vst v14;
	v4 =	vld.idx.msk [tilespmem:v13+s5+$0x0], $0xffff  }
0x6e: {  	s26 =	sadd.s32 $0x100, s26;
	[tilespmem:s24+$0x0] =	vst v8;
	v5 =	vld.idx.msk [tilespmem:v6+s5+$0x0], $0xffff  }
0x6f: {  	[tilespmem:s24+$0x10] =	vst v0  }
0x70: {  	[tilespmem:s24+$0x20] =	vst v1;
	s22 =	sshll.u32 s22, $0xE  }
0x71: {  	[tilespmem:s24+$0x30] =	vst v2;
	s22 =	sand.u32 $0x7FFE0000, s22  }
0x72: {  	[tilespmem:s24+$0x40] =	vst v3;
	s22 =	sor.u32 s23, s22  }
0x73: {  	[tilespmem:s24+$0x50] =	vst v4;
	s22 =	sshrl.u32 s22, $0x3  }
0x74: {  	s31 =	simm.s32 $0x197F0;
	[tilespmem:s24+$0x60] =	vst v5;
	s30 =	sadd.s32 s3, s22  }
0x75: {  	[hbm4b:s30+s12] =	stream.strided.scatter [tilespmem:s17], [sflag:$0x1], $0x1000, s13, s12, $0x38;
	[tilespmem:$0x1E700] =	vst v63  }
0x76: {  	v0 =	vld [tilespmem:s31+$0x0]  }
0x77: {  	v1 =	vld [tilespmem:s31+$0xFFFFFF20]  }
0x78: {  	v2 =	vld [tilespmem:s31+$0xFFFFFF30]  }
0x79: {  	v3 =	vld [tilespmem:s31+$0xFFFFFF40]  }
0x7a: {  	v4 =	vld [tilespmem:s31+$0xFFFFFF50]  }
0x7b: {  	v5 =	vld [tilespmem:s31+$0xFFFFFF60]  }
0x7c: {  	v6 =	vld [tilespmem:s31+$0xFFFFFF70]  }
0x7d: {  	v7 =	vld [tilespmem:s31+$0xFFFFFF80]  }
0x7e: {  	v8 =	vld [tilespmem:s31+$0xFFFFFF90]  }
0x7f: {  	v9 =	vld [tilespmem:s31+$0xFFFFFFA0]  }
0x80: {  	v10 =	vld [tilespmem:s31+$0xFFFFFFB0]  }
0x81: {  	v11 =	vld [tilespmem:s31+$0xFFFFFFC0]  }
0x82: {  	v12 =	vld [tilespmem:s31+$0xFFFFFFD0]  }
0x83: {  	v13 =	vld [tilespmem:s31+$0xFFFFFFE0]  }
0x84: {  	v14 =	vld [tilespmem:s31+$0xFFFFFFF0]  }
0x85: {  	v15 =	vld [tilespmem:s31+$0xFFFFFF10]  }
0x86: {  	v0 =	vld.idx.msk [tilespmem:v0+s5+$0x0], $0xffff  }
0x87: {  	v1 =	vld.idx.msk [tilespmem:v1+s5+$0x0], $0xffff  }
0x88: {  	v2 =	vld.idx.msk [tilespmem:v2+s5+$0x0], $0xffff  }
0x89: {  	v3 =	vld.idx.msk [tilespmem:v3+s5+$0x0], $0xffff  }
0x8a: {  	v4 =	vld.idx.msk [tilespmem:v4+s5+$0x0], $0xffff  }
0x8b: {  	s23 =	simm.s32 $0x1D780;
	v5 =	vld.idx.msk [tilespmem:v5+s5+$0x0], $0xffff  }
0x8c: {  	v6 =	vld.idx.msk [tilespmem:v6+s5+$0x0], $0xffff;
	[tilespmem:s23+$0x70] =	vst v0  }
0x8d: {  	v7 =	vld.idx.msk [tilespmem:v7+s5+$0x0], $0xffff;
	[tilespmem:s23+$0xFFFFFF90] =	vst v1  }
0x8e: {  	v15 =	vld.idx.msk [tilespmem:v15+s5+$0x0], $0xffff;
	[tilespmem:s23+$0xFFFFFFA0] =	vst v2  }
0x8f: {  	v8 =	vld.idx.msk [tilespmem:v8+s5+$0x0], $0xffff;
	[tilespmem:s23+$0xFFFFFFB0] =	vst v3  }
0x90: {  	[tilespmem:s23+$0xFFFFFFC0] =	vst v4;
	v0 =	vld.idx.msk [tilespmem:v9+s5+$0x0], $0xffff  }
0x91: {  	[tilespmem:s23+$0xFFFFFFD0] =	vst v5;
	v1 =	vld.idx.msk [tilespmem:v10+s5+$0x0], $0xffff  }
0x92: {  	[tilespmem:s23+$0xFFFFFFE0] =	vst v6;
	v2 =	vld.idx.msk [tilespmem:v11+s5+$0x0], $0xffff  }
0x93: {  	[tilespmem:s23+$0xFFFFFFF0] =	vst v7;
	v3 =	vld.idx.msk [tilespmem:v12+s5+$0x0], $0xffff  }
0x94: {  	[tilespmem:s23+$0xFFFFFF80] =	vst v15;
	v4 =	vld.idx.msk [tilespmem:v13+s5+$0x0], $0xffff  }
0x95: {  	s25 =	simm.s32 $0x198F0;
	s24 =	simm.s32 $0x0;
	[tilespmem:s23+$0x0] =	vst v8;
	v5 =	vld.idx.msk [tilespmem:v14+s5+$0x0], $0xffff  }
.LBB2_5:
0x96: {  	v6 =	vld [tilespmem:s25+$0x0];
	s24 =	sadd.s32 $0x100, s24;
	[tilespmem:s23+$0x10] =	vst v0  }
0x97: {  	v0 =	vld [tilespmem:s25+$0xFFFFFF20];
	p0 =	slt.u32 s24, $0xF00;
	[tilespmem:s23+$0x20] =	vst v1  }
0x98: {  	v1 =	vld [tilespmem:s25+$0xFFFFFF30];
	[tilespmem:s23+$0x30] =	vst v2  }
0x99: {  	v2 =	vld [tilespmem:s25+$0xFFFFFF40];
	[tilespmem:s23+$0x40] =	vst v3  }
0x9a: {  	v3 =	vld [tilespmem:s25+$0xFFFFFF50];
	[tilespmem:s23+$0x50] =	vst v4  }
0x9b: {  	v4 =	vld [tilespmem:s25+$0xFFFFFF60];
	[tilespmem:s23+$0x60] =	vst v5  }
0x9c: {  	v5 =	vld [tilespmem:s25+$0xFFFFFF70]  }
0x9d: {  	v7 =	vld [tilespmem:s25+$0xFFFFFF80]  }
0x9e: {  	v6 =	vld.idx.msk [tilespmem:v6+s5+$0x0], $0xffff  }
0x9f: {  	v8 =	vld [tilespmem:s25+$0xFFFFFF90]  }
0xa0: {  	v9 =	vld [tilespmem:s25+$0xFFFFFFA0]  }
0xa1: {  	v10 =	vld [tilespmem:s25+$0xFFFFFFB0]  }
0xa2: {  	v11 =	vld [tilespmem:s25+$0xFFFFFFC0]  }
0xa3: {  	s23 =	sadd.s32 $0x100, s23;
	v12 =	vld [tilespmem:s25+$0xFFFFFFD0]  }
0xa4: {  	v13 =	vld [tilespmem:s25+$0xFFFFFFE0];
	[tilespmem:s23+$0x70] =	vst v6  }
0xa5: {  	v6 =	vld [tilespmem:s25+$0xFFFFFFF0]  }
0xa6: {  	v14 =	vld [tilespmem:s25+$0xFFFFFF10]  }
0xa7: {  	v0 =	vld.idx.msk [tilespmem:v0+s5+$0x0], $0xffff  }
0xa8: {  	v1 =	vld.idx.msk [tilespmem:v1+s5+$0x0], $0xffff  }
0xa9: {  	v2 =	vld.idx.msk [tilespmem:v2+s5+$0x0], $0xffff  }
0xaa: {  	v3 =	vld.idx.msk [tilespmem:v3+s5+$0x0], $0xffff  }
0xab: {  	v4 =	vld.idx.msk [tilespmem:v4+s5+$0x0], $0xffff  }
0xac: {  	v5 =	vld.idx.msk [tilespmem:v5+s5+$0x0], $0xffff  }
0xad: {  	[tilespmem:s23+$0xFFFFFF90] =	vst v0;
	v7 =	vld.idx.msk [tilespmem:v7+s5+$0x0], $0xffff  }
0xae: {  	v14 =	vld.idx.msk [tilespmem:v14+s5+$0x0], $0xffff;
	[tilespmem:s23+$0xFFFFFFA0] =	vst v1  }
0xaf: {  	[tilespmem:s23+$0xFFFFFFB0] =	vst v2;
	v8 =	vld.idx.msk [tilespmem:v8+s5+$0x0], $0xffff  }
0xb0: {  	[tilespmem:s23+$0xFFFFFFC0] =	vst v3;
	v0 =	vld.idx.msk [tilespmem:v9+s5+$0x0], $0xffff  }
.Ltmp1:
0xb1: {  	[tilespmem:s23+$0xFFFFFFD0] =	vst v4;
	v1 =	vld.idx.msk [tilespmem:v10+s5+$0x0], $0xffff;
	(pc) =	sbr.rel @p0 .LBB2_5-.Ltmp1, $4  }
0xb2: {  	[tilespmem:s23+$0xFFFFFFE0] =	vst v5;
	v2 =	vld.idx.msk [tilespmem:v11+s5+$0x0], $0xffff  }
0xb3: {  	[tilespmem:s23+$0xFFFFFFF0] =	vst v7;
	v3 =	vld.idx.msk [tilespmem:v12+s5+$0x0], $0xffff  }
0xb4: {  	[tilespmem:s23+$0xFFFFFF80] =	vst v14;
	v4 =	vld.idx.msk [tilespmem:v13+s5+$0x0], $0xffff  }
0xb5: {  	s25 =	sadd.s32 $0x100, s25;
	[tilespmem:s23+$0x0] =	vst v8;
	v5 =	vld.idx.msk [tilespmem:v6+s5+$0x0], $0xffff  }
0xb6: {  	[tilespmem:s23+$0x10] =	vst v0  }
0xb7: {  	[tilespmem:s23+$0x20] =	vst v1  }
0xb8: {  	[tilespmem:s23+$0x30] =	vst v2  }
0xb9: {  	[tilespmem:s23+$0x40] =	vst v3  }
0xba: {  	[tilespmem:s23+$0x50] =	vst v4  }
0xbb: {  	s30 =	sadd.s32 s22, s7;
	[tilespmem:s23+$0x60] =	vst v5  }
0xbc: {  	[hbm4b:s30+s12] =	stream.strided.scatter [tilespmem:s18], [sflag:$0x2], $0x1000, s13, s12, $0x38;
	[tilespmem:$0x1E700] =	vst v63  }
0xbd: {  	_ =	swait.ge [sflag:s11], $0x1000  }
0xbe: {  	[sflag:s11] =	ssyncset.done $0x0  }
0xbf: {  	s31 =	simm.s32 $0x1A7F0;
	[sflag:s11] =	ssyncadd.s32 $0xFFFFF000  }
0xc0: {  	v0 =	vld [tilespmem:s31+$0x0]  }
0xc1: {  	v1 =	vld [tilespmem:s31+$0xFFFFFF20]  }
0xc2: {  	v2 =	vld [tilespmem:s31+$0xFFFFFF30]  }
0xc3: {  	v3 =	vld [tilespmem:s31+$0xFFFFFF40]  }
0xc4: {  	v4 =	vld [tilespmem:s31+$0xFFFFFF50]  }
0xc5: {  	v5 =	vld [tilespmem:s31+$0xFFFFFF60]  }
0xc6: {  	v6 =	vld [tilespmem:s31+$0xFFFFFF70]  }
0xc7: {  	v7 =	vld [tilespmem:s31+$0xFFFFFF80]  }
0xc8: {  	v8 =	vld [tilespmem:s31+$0xFFFFFF90]  }
0xc9: {  	v9 =	vld [tilespmem:s31+$0xFFFFFFA0]  }
0xca: {  	v10 =	vld [tilespmem:s31+$0xFFFFFFB0]  }
0xcb: {  	v11 =	vld [tilespmem:s31+$0xFFFFFFC0]  }
0xcc: {  	v12 =	vld [tilespmem:s31+$0xFFFFFFD0]  }
0xcd: {  	v13 =	vld [tilespmem:s31+$0xFFFFFFE0]  }
0xce: {  	v14 =	vld [tilespmem:s31+$0xFFFFFFF0]  }
0xcf: {  	v15 =	vld [tilespmem:s31+$0xFFFFFF10]  }
0xd0: {  	v0 =	vld.idx.msk [tilespmem:v0+s5+$0x0], $0xffff  }
0xd1: {  	v1 =	vld.idx.msk [tilespmem:v1+s5+$0x0], $0xffff  }
0xd2: {  	v2 =	vld.idx.msk [tilespmem:v2+s5+$0x0], $0xffff  }
0xd3: {  	v3 =	vld.idx.msk [tilespmem:v3+s5+$0x0], $0xffff  }
0xd4: {  	v4 =	vld.idx.msk [tilespmem:v4+s5+$0x0], $0xffff  }
0xd5: {  	s23 =	simm.s32 $0x1C780;
	v5 =	vld.idx.msk [tilespmem:v5+s5+$0x0], $0xffff  }
0xd6: {  	v6 =	vld.idx.msk [tilespmem:v6+s5+$0x0], $0xffff;
	[tilespmem:s23+$0x70] =	vst v0  }
0xd7: {  	v7 =	vld.idx.msk [tilespmem:v7+s5+$0x0], $0xffff;
	[tilespmem:s23+$0xFFFFFF90] =	vst v1  }
0xd8: {  	v15 =	vld.idx.msk [tilespmem:v15+s5+$0x0], $0xffff;
	[tilespmem:s23+$0xFFFFFFA0] =	vst v2  }
0xd9: {  	v8 =	vld.idx.msk [tilespmem:v8+s5+$0x0], $0xffff;
	[tilespmem:s23+$0xFFFFFFB0] =	vst v3  }
0xda: {  	[tilespmem:s23+$0xFFFFFFC0] =	vst v4;
	v0 =	vld.idx.msk [tilespmem:v9+s5+$0x0], $0xffff  }
0xdb: {  	[tilespmem:s23+$0xFFFFFFD0] =	vst v5;
	v1 =	vld.idx.msk [tilespmem:v10+s5+$0x0], $0xffff  }
0xdc: {  	[tilespmem:s23+$0xFFFFFFE0] =	vst v6;
	v2 =	vld.idx.msk [tilespmem:v11+s5+$0x0], $0xffff  }
0xdd: {  	[tilespmem:s23+$0xFFFFFFF0] =	vst v7;
	v3 =	vld.idx.msk [tilespmem:v12+s5+$0x0], $0xffff  }
0xde: {  	[tilespmem:s23+$0xFFFFFF80] =	vst v15;
	v4 =	vld.idx.msk [tilespmem:v13+s5+$0x0], $0xffff  }
0xdf: {  	s24 =	simm.s32 $0x0;
	s25 =	simm.s32 $0x1A8F0;
	[tilespmem:s23+$0x0] =	vst v8;
	v5 =	vld.idx.msk [tilespmem:v14+s5+$0x0], $0xffff  }
.LBB2_7:
0xe0: {  	v6 =	vld [tilespmem:s25+$0x0];
	s24 =	sadd.s32 $0x100, s24;
	[tilespmem:s23+$0x10] =	vst v0  }
0xe1: {  	v0 =	vld [tilespmem:s25+$0xFFFFFF20];
	p0 =	slt.u32 s24, $0xF00;
	[tilespmem:s23+$0x20] =	vst v1  }
0xe2: {  	v1 =	vld [tilespmem:s25+$0xFFFFFF30];
	[tilespmem:s23+$0x30] =	vst v2  }
0xe3: {  	v2 =	vld [tilespmem:s25+$0xFFFFFF40];
	[tilespmem:s23+$0x40] =	vst v3  }
0xe4: {  	v3 =	vld [tilespmem:s25+$0xFFFFFF50];
	[tilespmem:s23+$0x50] =	vst v4  }
0xe5: {  	v4 =	vld [tilespmem:s25+$0xFFFFFF60];
	[tilespmem:s23+$0x60] =	vst v5  }
0xe6: {  	v5 =	vld [tilespmem:s25+$0xFFFFFF70]  }
0xe7: {  	v7 =	vld [tilespmem:s25+$0xFFFFFF80]  }
0xe8: {  	v6 =	vld.idx.msk [tilespmem:v6+s5+$0x0], $0xffff  }
0xe9: {  	v8 =	vld [tilespmem:s25+$0xFFFFFF90]  }
0xea: {  	v9 =	vld [tilespmem:s25+$0xFFFFFFA0]  }
0xeb: {  	v10 =	vld [tilespmem:s25+$0xFFFFFFB0]  }
0xec: {  	v11 =	vld [tilespmem:s25+$0xFFFFFFC0]  }
0xed: {  	s23 =	sadd.s32 $0x100, s23;
	v12 =	vld [tilespmem:s25+$0xFFFFFFD0]  }
0xee: {  	v13 =	vld [tilespmem:s25+$0xFFFFFFE0];
	[tilespmem:s23+$0x70] =	vst v6  }
0xef: {  	v6 =	vld [tilespmem:s25+$0xFFFFFFF0]  }
0xf0: {  	v14 =	vld [tilespmem:s25+$0xFFFFFF10]  }
0xf1: {  	v0 =	vld.idx.msk [tilespmem:v0+s5+$0x0], $0xffff  }
0xf2: {  	v1 =	vld.idx.msk [tilespmem:v1+s5+$0x0], $0xffff  }
0xf3: {  	v2 =	vld.idx.msk [tilespmem:v2+s5+$0x0], $0xffff  }
0xf4: {  	v3 =	vld.idx.msk [tilespmem:v3+s5+$0x0], $0xffff  }
0xf5: {  	v4 =	vld.idx.msk [tilespmem:v4+s5+$0x0], $0xffff  }
0xf6: {  	v5 =	vld.idx.msk [tilespmem:v5+s5+$0x0], $0xffff  }
0xf7: {  	[tilespmem:s23+$0xFFFFFF90] =	vst v0;
	v7 =	vld.idx.msk [tilespmem:v7+s5+$0x0], $0xffff  }
0xf8: {  	v14 =	vld.idx.msk [tilespmem:v14+s5+$0x0], $0xffff;
	[tilespmem:s23+$0xFFFFFFA0] =	vst v1  }
0xf9: {  	[tilespmem:s23+$0xFFFFFFB0] =	vst v2;
	v8 =	vld.idx.msk [tilespmem:v8+s5+$0x0], $0xffff  }
0xfa: {  	[tilespmem:s23+$0xFFFFFFC0] =	vst v3;
	v0 =	vld.idx.msk [tilespmem:v9+s5+$0x0], $0xffff  }
.Ltmp2:
0xfb: {  	[tilespmem:s23+$0xFFFFFFD0] =	vst v4;
	v1 =	vld.idx.msk [tilespmem:v10+s5+$0x0], $0xffff;
	(pc) =	sbr.rel @p0 .LBB2_7-.Ltmp2, $4  }
0xfc: {  	[tilespmem:s23+$0xFFFFFFE0] =	vst v5;
	v2 =	vld.idx.msk [tilespmem:v11+s5+$0x0], $0xffff  }
0xfd: {  	[tilespmem:s23+$0xFFFFFFF0] =	vst v7;
	v3 =	vld.idx.msk [tilespmem:v12+s5+$0x0], $0xffff  }
0xfe: {  	[tilespmem:s23+$0xFFFFFF80] =	vst v14;
	v4 =	vld.idx.msk [tilespmem:v13+s5+$0x0], $0xffff  }
0xff: {  	s25 =	sadd.s32 $0x100, s25;
	[tilespmem:s23+$0x0] =	vst v8;
	v5 =	vld.idx.msk [tilespmem:v6+s5+$0x0], $0xffff  }
0x100: {  	[tilespmem:s23+$0x10] =	vst v0  }
0x101: {  	[tilespmem:s23+$0x20] =	vst v1  }
0x102: {  	[tilespmem:s23+$0x30] =	vst v2  }
0x103: {  	[tilespmem:s23+$0x40] =	vst v3  }
0x104: {  	[tilespmem:s23+$0x50] =	vst v4  }
0x105: {  	s30 =	sadd.s32 s22, s8;
	[tilespmem:s23+$0x60] =	vst v5  }
0x106: {  	[hbm4b:s30+s12] =	stream.strided.scatter [tilespmem:s17], [sflag:$0x1], $0x1000, s13, s12, $0x38;
	[tilespmem:$0x1E700] =	vst v63  }
0x107: {  	_ =	swait.ge [sflag:s19], $0x1000  }
0x108: {  	[sflag:s19] =	ssyncset.done $0x0  }
0x109: {  	s31 =	simm.s32 $0x1B7F0;
	[sflag:s19] =	ssyncadd.s32 $0xFFFFF000  }
0x10a: {  	v0 =	vld [tilespmem:s31+$0x0]  }
0x10b: {  	v1 =	vld [tilespmem:s31+$0xFFFFFF20]  }
0x10c: {  	v2 =	vld [tilespmem:s31+$0xFFFFFF30]  }
0x10d: {  	v3 =	vld [tilespmem:s31+$0xFFFFFF40]  }
0x10e: {  	v4 =	vld [tilespmem:s31+$0xFFFFFF50]  }
0x10f: {  	v5 =	vld [tilespmem:s31+$0xFFFFFF60]  }
0x110: {  	v6 =	vld [tilespmem:s31+$0xFFFFFF70]  }
0x111: {  	v7 =	vld [tilespmem:s31+$0xFFFFFF80]  }
0x112: {  	v8 =	vld [tilespmem:s31+$0xFFFFFF90]  }
0x113: {  	v9 =	vld [tilespmem:s31+$0xFFFFFFA0]  }
0x114: {  	v10 =	vld [tilespmem:s31+$0xFFFFFFB0]  }
0x115: {  	v11 =	vld [tilespmem:s31+$0xFFFFFFC0]  }
0x116: {  	v12 =	vld [tilespmem:s31+$0xFFFFFFD0]  }
0x117: {  	v13 =	vld [tilespmem:s31+$0xFFFFFFE0]  }
0x118: {  	v14 =	vld [tilespmem:s31+$0xFFFFFFF0]  }
0x119: {  	v15 =	vld [tilespmem:s31+$0xFFFFFF10]  }
0x11a: {  	v0 =	vld.idx.msk [tilespmem:v0+s5+$0x0], $0xffff  }
0x11b: {  	v1 =	vld.idx.msk [tilespmem:v1+s5+$0x0], $0xffff  }
0x11c: {  	v2 =	vld.idx.msk [tilespmem:v2+s5+$0x0], $0xffff  }
0x11d: {  	v3 =	vld.idx.msk [tilespmem:v3+s5+$0x0], $0xffff  }
0x11e: {  	v4 =	vld.idx.msk [tilespmem:v4+s5+$0x0], $0xffff  }
0x11f: {  	s23 =	simm.s32 $0x1D780;
	v5 =	vld.idx.msk [tilespmem:v5+s5+$0x0], $0xffff  }
0x120: {  	v6 =	vld.idx.msk [tilespmem:v6+s5+$0x0], $0xffff;
	[tilespmem:s23+$0x70] =	vst v0  }
0x121: {  	v7 =	vld.idx.msk [tilespmem:v7+s5+$0x0], $0xffff;
	[tilespmem:s23+$0xFFFFFF90] =	vst v1  }
0x122: {  	v15 =	vld.idx.msk [tilespmem:v15+s5+$0x0], $0xffff;
	[tilespmem:s23+$0xFFFFFFA0] =	vst v2  }
0x123: {  	v8 =	vld.idx.msk [tilespmem:v8+s5+$0x0], $0xffff;
	[tilespmem:s23+$0xFFFFFFB0] =	vst v3  }
0x124: {  	[tilespmem:s23+$0xFFFFFFC0] =	vst v4;
	v0 =	vld.idx.msk [tilespmem:v9+s5+$0x0], $0xffff  }
0x125: {  	[tilespmem:s23+$0xFFFFFFD0] =	vst v5;
	v1 =	vld.idx.msk [tilespmem:v10+s5+$0x0], $0xffff  }
0x126: {  	[tilespmem:s23+$0xFFFFFFE0] =	vst v6;
	v2 =	vld.idx.msk [tilespmem:v11+s5+$0x0], $0xffff  }
0x127: {  	[tilespmem:s23+$0xFFFFFFF0] =	vst v7;
	v3 =	vld.idx.msk [tilespmem:v12+s5+$0x0], $0xffff  }
0x128: {  	[tilespmem:s23+$0xFFFFFF80] =	vst v15;
	v4 =	vld.idx.msk [tilespmem:v13+s5+$0x0], $0xffff  }
0x129: {  	s24 =	simm.s32 $0x0;
	s25 =	simm.s32 $0x1B8F0;
	[tilespmem:s23+$0x0] =	vst v8;
	v5 =	vld.idx.msk [tilespmem:v14+s5+$0x0], $0xffff  }
.LBB2_9:
0x12a: {  	v6 =	vld [tilespmem:s25+$0x0];
	s24 =	sadd.s32 $0x100, s24;
	[tilespmem:s23+$0x10] =	vst v0  }
0x12b: {  	v0 =	vld [tilespmem:s25+$0xFFFFFF20];
	p0 =	slt.u32 s24, $0xF00;
	[tilespmem:s23+$0x20] =	vst v1  }
0x12c: {  	v1 =	vld [tilespmem:s25+$0xFFFFFF30];
	[tilespmem:s23+$0x30] =	vst v2  }
0x12d: {  	v2 =	vld [tilespmem:s25+$0xFFFFFF40];
	[tilespmem:s23+$0x40] =	vst v3  }
0x12e: {  	v3 =	vld [tilespmem:s25+$0xFFFFFF50];
	[tilespmem:s23+$0x50] =	vst v4  }
0x12f: {  	v4 =	vld [tilespmem:s25+$0xFFFFFF60];
	[tilespmem:s23+$0x60] =	vst v5  }
0x130: {  	v5 =	vld [tilespmem:s25+$0xFFFFFF70]  }
0x131: {  	v7 =	vld [tilespmem:s25+$0xFFFFFF80]  }
0x132: {  	v6 =	vld.idx.msk [tilespmem:v6+s5+$0x0], $0xffff  }
0x133: {  	v8 =	vld [tilespmem:s25+$0xFFFFFF90]  }
0x134: {  	v9 =	vld [tilespmem:s25+$0xFFFFFFA0]  }
0x135: {  	v10 =	vld [tilespmem:s25+$0xFFFFFFB0]  }
0x136: {  	v11 =	vld [tilespmem:s25+$0xFFFFFFC0]  }
0x137: {  	s23 =	sadd.s32 $0x100, s23;
	v12 =	vld [tilespmem:s25+$0xFFFFFFD0]  }
0x138: {  	v13 =	vld [tilespmem:s25+$0xFFFFFFE0];
	[tilespmem:s23+$0x70] =	vst v6  }
0x139: {  	v6 =	vld [tilespmem:s25+$0xFFFFFFF0]  }
0x13a: {  	v14 =	vld [tilespmem:s25+$0xFFFFFF10]  }
0x13b: {  	v0 =	vld.idx.msk [tilespmem:v0+s5+$0x0], $0xffff  }
0x13c: {  	v1 =	vld.idx.msk [tilespmem:v1+s5+$0x0], $0xffff  }
0x13d: {  	v2 =	vld.idx.msk [tilespmem:v2+s5+$0x0], $0xffff  }
0x13e: {  	v3 =	vld.idx.msk [tilespmem:v3+s5+$0x0], $0xffff  }
0x13f: {  	v4 =	vld.idx.msk [tilespmem:v4+s5+$0x0], $0xffff  }
0x140: {  	v5 =	vld.idx.msk [tilespmem:v5+s5+$0x0], $0xffff  }
0x141: {  	[tilespmem:s23+$0xFFFFFF90] =	vst v0;
	v7 =	vld.idx.msk [tilespmem:v7+s5+$0x0], $0xffff  }
0x142: {  	v14 =	vld.idx.msk [tilespmem:v14+s5+$0x0], $0xffff;
	[tilespmem:s23+$0xFFFFFFA0] =	vst v1  }
0x143: {  	[tilespmem:s23+$0xFFFFFFB0] =	vst v2;
	v8 =	vld.idx.msk [tilespmem:v8+s5+$0x0], $0xffff  }
0x144: {  	[tilespmem:s23+$0xFFFFFFC0] =	vst v3;
	v0 =	vld.idx.msk [tilespmem:v9+s5+$0x0], $0xffff  }
.Ltmp3:
0x145: {  	[tilespmem:s23+$0xFFFFFFD0] =	vst v4;
	v1 =	vld.idx.msk [tilespmem:v10+s5+$0x0], $0xffff;
	(pc) =	sbr.rel @p0 .LBB2_9-.Ltmp3, $4  }
0x146: {  	[tilespmem:s23+$0xFFFFFFE0] =	vst v5;
	v2 =	vld.idx.msk [tilespmem:v11+s5+$0x0], $0xffff  }
0x147: {  	[tilespmem:s23+$0xFFFFFFF0] =	vst v7;
	v3 =	vld.idx.msk [tilespmem:v12+s5+$0x0], $0xffff  }
0x148: {  	[tilespmem:s23+$0xFFFFFF80] =	vst v14;
	v4 =	vld.idx.msk [tilespmem:v13+s5+$0x0], $0xffff  }
0x149: {  	s25 =	sadd.s32 $0x100, s25;
	[tilespmem:s23+$0x0] =	vst v8;
	v5 =	vld.idx.msk [tilespmem:v6+s5+$0x0], $0xffff  }
0x14a: {  	[tilespmem:s23+$0x10] =	vst v0;
	s21 =	sadd.s32 $0x1, s21  }
0x14b: {  	[tilespmem:s23+$0x20] =	vst v1;
	p0 =	sne.s32 s21, $0x1A  }
.Ltmp4:
0x14c: {  	[tilespmem:s23+$0x30] =	vst v2;
	(pc) =	sbr.rel @p0 .LBB2_2-.Ltmp4, $4  }
0x14d: {  	[tilespmem:s23+$0x40] =	vst v3  }
0x14e: {  	[tilespmem:s23+$0x50] =	vst v4  }
0x14f: {  	s22 =	sadd.s32 s22, s9;
	[tilespmem:s23+$0x60] =	vst v5  }
0x150: {  	[hbm4b:s22+s12] =	stream.strided.scatter [tilespmem:s18], [sflag:$0x2], $0x1000, s13, s12, $0x38;
	[tilespmem:$0x1E700] =	vst v63  }
0x151: {  	s20 =	sadd.s32 $0x1, s20  }
0x152: {  	_ =	swait.ge [sflag:s11], $0x1000;
	p0 =	sne.s32 s20, s10  }
.Ltmp5:
0x153: {  	[sflag:s11] =	ssyncset.done $0x0;
	(pc) =	sbr.rel @p0 .LBB2_1-.Ltmp5, $4  }
0x154: {  	[sflag:s11] =	ssyncadd.s32 $0xFFFFF000  }
0x155: {  	_ =	swait.ge [sflag:s19], $0x1000  }
0x156: {  	[sflag:s19] =	ssyncset.done $0x0  }
0x157: {  	[sflag:s19] =	ssyncadd.s32 $0xFFFFF000  }
0x158: {  	_ =	sfence.sel $0x180000  }
0x159: {  	[bflag:$0x0] =	sbarrier.arrive $0xFFFF  }
0x15a: {  	p0 =	sne.s32 s4, $0x0;
	_ =	strace $0x90000047  }
0x15b: {  	s0 =	sadd.s32 @!p0 $0x100000, s0;
	[bflag:$0x2] =	sbarrier.arrive $0xFFFF  }
0x15c: {  	[sflag:s0] =	ssyncadd.tile.s32 @!p0 $0x1;
	_ =	shalt  }
.Lfunc_end2:
_tile_overlayer_lowered:
.L_overlay_start_2:
0x15d: {  	(tag) =	ssettag $0x2  }
0x15e: {  	s0 =	rddreg [dreg:$0x0];
	s2 =	stileid.u32  }
0x15f: {  	s1 =	rddreg [dreg:$0x1];
	p0 =	sne.s32 s2, $0x0  }
0x160: {  	s3 =	rddreg [dreg:$0x2];
	[bflag:$0x3] =	sbarrier.arrive $0xFFFF;
	s2 =	simm.s32 @!p0 $0x1C04  }
0x161: {  	[timem:s3], [sflag:s2] =	dma.local @!p0 [hbm:s0], s1  }
0x162: {  	s0 =	simm.s32 @!p0 $0x4  }
0x163: {  	_ =	swait.ge @!p0 [sflag:s0], s1  }
0x164: {  	s1 =	ssub.s32 @!p0 $0x0, s1;
	[sflag:s0] =	ssyncset.done @!p0 $0x0  }
0x165: {  	[sflag:s0] =	ssyncadd.s32 @!p0 s1  }
0x166: {  	[bflag:$0x3] =	sbarrier.arrive $0xFFFF  }
0x167: {  	_ =	shalt  }

</sc_bundles>
